<compile_context>
chip_gen: v7x
topology: tpu7x:2x2x1
jax: 0.10.2.dev20260603
libtpu: 0.0.44.dev20260713+nightly
codegen_flags: <defaults>
</compile_context>

<pallas_src>
import functools

import jax
import jax.numpy as jnp
from jax import lax
from jax.experimental import pallas as pl
from jax.experimental.pallas import tpu as pltpu
from jax.experimental.pallas import tpu_sc as plsc

_NC, _NS = 2, 16
_NW = _NC * _NS
_D = 1024
_BATCH = 1024
_SEQ = 50
_BPW = _BATCH // _NW


def _make_gather():
    mesh = plsc.VectorSubcoreMesh(core_axis_name="c", subcore_axis_name="s",
                                  num_cores=2)

    @functools.partial(
        pl.kernel,
        mesh=mesh,
        out_type=jax.ShapeDtypeStruct((_SEQ, _BATCH, _D), jnp.float32),
        scratch_types=[
            pltpu.VMEM((_SEQ, _BPW), jnp.int32),
            pltpu.VMEM((_BPW, _D), jnp.float32),
            pltpu.VMEM((_BPW, _D), jnp.float32),
            pltpu.SemaphoreType.DMA,
            pltpu.SemaphoreType.DMA,
            pltpu.SemaphoreType.DMA,
            pltpu.SemaphoreType.DMA,
        ],
    )
    def gather_rows(table_hbm, idx_hbm, out_hbm,
                    idx_v, buf0, buf1, g0, g1, o0, o1):
        wid = lax.axis_index("s") * _NC + lax.axis_index("c")
        base = wid * _BPW
        pltpu.sync_copy(idx_hbm.at[wid], idx_v)

        def gather(s, buf, sem):
            return pltpu.make_async_copy(
                table_hbm.at[idx_v.at[s]], buf, sem)

        def out_copy(s, buf, sem):
            return pltpu.make_async_copy(
                buf, out_hbm.at[s].at[pl.ds(base, _BPW)], sem)

        gather(0, buf0, g0).start()

        def body(p, carry):
            sa = 2 * p
            gather(sa, buf0, g0).wait()
            out_copy(sa, buf0, o0).start()
            gather(sa + 1, buf1, g1).start()
            gather(sa + 1, buf1, g1).wait()
            out_copy(sa + 1, buf1, o1).start()
            out_copy(sa, buf0, o0).wait()

            @pl.when(p < _SEQ // 2 - 1)
            def _():
                gather(sa + 2, buf0, g0).start()

            out_copy(sa + 1, buf1, o1).wait()
            return carry

        lax.fori_loop(0, _SEQ // 2, body, 0)

    return gather_rows


_gather = _make_gather()


def kernel(indices, table):
    idx_a = indices.reshape(_NW, _BPW, _SEQ).transpose(0, 2, 1)
    out_sc = _gather(table, idx_a)
    return out_sc.transpose(1, 0, 2)

# --- scband reference (transcript-rebuilt; emitter-appended) ---
"""Pipeline reference for scband-prompt-embedding-10307921510871 (READ-ONLY COPY).

The authoritative reference and input builder live on the scoring server;
editing this copy changes nothing except your own understanding.
"""

import jax, jax.numpy as jnp
import numpy as np

TOTAL_VIRTUAL_TOKENS = 1000
D_MODEL = 1024
BATCH = 1024
SEQ = 50

def setup_inputs(seed: int = 0) -> dict:
    key = jax.random.key(seed)
    k_idx, k_tab = jax.random.split(key)
    indices = jax.random.randint(k_idx, (BATCH, SEQ), 0, TOTAL_VIRTUAL_TOKENS, dtype=jnp.int32)
    # learned parameter: embedding table, init_type='random' path keeps default nn.Embedding init (normal)
    table = jax.random.normal(k_tab, (TOTAL_VIRTUAL_TOKENS, D_MODEL), dtype=jnp.float32)
    return {"indices": indices, "table": table}

def reference(indices, table):
    # prompt_embeddings = self.embedding(indices)
    prompt_embeddings = jnp.take(table, indices, axis=0)
    return prompt_embeddings

if __name__ == "__main__":
    import jax
    _d = setup_inputs()
    print(jax.jit(kernel)(*tuple(_d.values())))

</pallas_src>

<mosaic_0001>
#map = affine_map<(d0, d1) -> (0, 0)>
#map1 = affine_map<(d0, d1) -> (0, 0, 0)>
module attributes {stable_mosaic.version = 14 : i64} {
  func.func @gather_rows(%arg0: i32, %arg1: i32, %arg2: memref<1000x1024xf32, #tpu.memory_space<hbm>>, %arg3: memref<32x50x32xi32, #tpu.memory_space<hbm>>, %arg4: memref<50x1024x1024xf32, #tpu.memory_space<hbm>>, %arg5: memref<50x32xi32, #tpu.memory_space<vmem>>, %arg6: memref<32x1024xf32, #tpu.memory_space<vmem>>, %arg7: memref<32x1024xf32, #tpu.memory_space<vmem>>, %arg8: memref<!tpu.dma_semaphore, #tpu.memory_space<semaphore_mem>>, %arg9: memref<!tpu.dma_semaphore, #tpu.memory_space<semaphore_mem>>, %arg10: memref<!tpu.dma_semaphore, #tpu.memory_space<semaphore_mem>>, %arg11: memref<!tpu.dma_semaphore, #tpu.memory_space<semaphore_mem>>) attributes {dimension_semantics = [#tpu.dimension_semantics<core_parallel>, #tpu.dimension_semantics<subcore_parallel>], iteration_bounds = array<i64: 2, 16>, scalar_prefetch = 0 : i64, scratch_operands = 7 : i64, tpu.core_type = #tpu.core_type<sc_vector_subcore>, window_params = [{transform_indices = #map}, {transform_indices = #map1}, {transform_indices = #map1}]} {
    %mul3A = arith.constant 2 : i32
    %mul3A_0 = arith.muli %arg1, %mul3A : i32
    %add3A = arith.addi %mul3A_0, %arg0 : i32
    %mul3A_1 = arith.constant 32 : i32
    %mul3A_2 = arith.muli %add3A, %mul3A_1 : i32
    "tpu.region"() ({
      %run_scoped3A = tpu.sem_alloc : memref<!tpu.dma_semaphore, #tpu.memory_space<semaphore_mem>>
      %dma_start3A_14 = arith.constant 0 : i32
      %dma_start3A_15 = arith.constant 0 : i32
      %dma_start3A_16 = tpu.memref_slice %arg3[%add3A, %dma_start3A_14, %dma_start3A_15] : memref<32x50x32xi32, #tpu.memory_space<hbm>> -> memref<1x50x32xi32, #tpu.memory_space<hbm>>
      %dma_start3A_17 = tpu.memref_squeeze %dma_start3A_16 : memref<1x50x32xi32, #tpu.memory_space<hbm>> -> memref<50x32xi32, #tpu.memory_space<hbm>>
      %dma_start3A_18 = arith.constant 0 : i32
      %dma_start3A_19 = arith.constant 0 : i32
      %dma_start3A_20 = tpu.memref_slice %arg3[%add3A, %dma_start3A_18, %dma_start3A_19] : memref<32x50x32xi32, #tpu.memory_space<hbm>> -> memref<1x50x32xi32, #tpu.memory_space<hbm>>
      %dma_start3A_21 = tpu.memref_squeeze %dma_start3A_20 : memref<1x50x32xi32, #tpu.memory_space<hbm>> -> memref<50x32xi32, #tpu.memory_space<hbm>>
      tpu.enqueue_dma source(%dma_start3A_21 : memref<50x32xi32, #tpu.memory_space<hbm>>) target(%arg5 : memref<50x32xi32, #tpu.memory_space<vmem>>) target_semaphore(%run_scoped3A : memref<!tpu.dma_semaphore, #tpu.memory_space<semaphore_mem>>)
      %dma_wait3A = arith.constant 0 : i32
      %dma_wait3A_22 = arith.constant 0 : i32
      %dma_wait3A_23 = tpu.memref_slice %arg3[%add3A, %dma_wait3A, %dma_wait3A_22] : memref<32x50x32xi32, #tpu.memory_space<hbm>> -> memref<1x50x32xi32, #tpu.memory_space<hbm>>
      %dma_wait3A_24 = tpu.memref_squeeze %dma_wait3A_23 : memref<1x50x32xi32, #tpu.memory_space<hbm>> -> memref<50x32xi32, #tpu.memory_space<hbm>>
      %dma_wait3A_25 = arith.constant 0 : i32
      %dma_wait3A_26 = arith.constant 0 : i32
      %dma_wait3A_27 = tpu.memref_slice %arg3[%add3A, %dma_wait3A_25, %dma_wait3A_26] : memref<32x50x32xi32, #tpu.memory_space<hbm>> -> memref<1x50x32xi32, #tpu.memory_space<hbm>>
      %dma_wait3A_28 = tpu.memref_squeeze %dma_wait3A_27 : memref<1x50x32xi32, #tpu.memory_space<hbm>> -> memref<50x32xi32, #tpu.memory_space<hbm>>
      tpu.wait_dma2 semaphore(%run_scoped3A : memref<!tpu.dma_semaphore, #tpu.memory_space<semaphore_mem>>) src(%dma_wait3A_28 : memref<50x32xi32, #tpu.memory_space<hbm>>) dst(%arg5 : memref<50x32xi32, #tpu.memory_space<vmem>>)
      tpu.yield
    }) : () -> ()
    %dma_start3A = arith.constant 0 : i32
    %dma_start3A_3 = arith.constant 0 : i32
    %dma_start3A_4 = tpu.memref_slice %arg5[%dma_start3A, %dma_start3A_3] : memref<50x32xi32, #tpu.memory_space<vmem>> -> memref<1x32xi32, #tpu.memory_space<vmem>>
    %dma_start3A_5 = tpu.memref_squeeze %dma_start3A_4 : memref<1x32xi32, #tpu.memory_space<vmem>> -> memref<32xi32, #tpu.memory_space<vmem>>
    %dma_start3A_6 = arith.constant 0 : i32
    %dma_start3A_7 = arith.constant 0 : i32
    %dma_start3A_8 = tpu.memref_slice %arg2[%dma_start3A_6, %dma_start3A_7] : memref<1000x1024xf32, #tpu.memory_space<hbm>> -> memref<1000x1024xf32, #tpu.memory_space<hbm>>
    tpu.enqueue_indirect_dma source(%dma_start3A_8 : memref<1000x1024xf32, #tpu.memory_space<hbm>>) target(%arg6 : memref<32x1024xf32, #tpu.memory_space<vmem>>) offsets(%dma_start3A_5 : memref<32xi32, #tpu.memory_space<vmem>>) semaphore(%arg8 : memref<!tpu.dma_semaphore, #tpu.memory_space<semaphore_mem>>)
    %scan3A = arith.constant 0 : i32
    %scan3A_9 = arith.constant 0 : i32
    %scan3A_10 = arith.constant 25 : i32
    %scan3A_11 = arith.addi %scan3A_9, %scan3A_10 : i32
    %scan3A_12 = arith.constant 1 : i32
    scf.for %scan3A_14 = %scan3A_9 to %scan3A_11 step %scan3A_12  : i32 {
      %mul3A_15 = arith.constant 2 : i32
      %mul3A_16 = arith.muli %mul3A_15, %scan3A_14 : i32
      %dma_wait3A = arith.constant 0 : i32
      %dma_wait3A_17 = tpu.memref_slice %arg5[%mul3A_16, %dma_wait3A] : memref<50x32xi32, #tpu.memory_space<vmem>> -> memref<1x32xi32, #tpu.memory_space<vmem>>
      %dma_wait3A_18 = tpu.memref_squeeze %dma_wait3A_17 : memref<1x32xi32, #tpu.memory_space<vmem>> -> memref<32xi32, #tpu.memory_space<vmem>>
      %dma_wait3A_19 = arith.constant 0 : i32
      %dma_wait3A_20 = arith.constant 0 : i32
      %dma_wait3A_21 = tpu.memref_slice %arg2[%dma_wait3A_19, %dma_wait3A_20] : memref<1000x1024xf32, #tpu.memory_space<hbm>> -> memref<1000x1024xf32, #tpu.memory_space<hbm>>
      tpu.wait_indirect_dma semaphore(%arg8 : memref<!tpu.dma_semaphore, #tpu.memory_space<semaphore_mem>>) src(%dma_wait3A_21 : memref<1000x1024xf32, #tpu.memory_space<hbm>>) dst(%arg6 : memref<32x1024xf32, #tpu.memory_space<vmem>>)
      %dma_start3A_22 = arith.constant 0 : i32
      %dma_start3A_23 = arith.constant 0 : i32
      %dma_start3A_24 = tpu.memref_slice %arg4[%mul3A_16, %dma_start3A_22, %dma_start3A_23] : memref<50x1024x1024xf32, #tpu.memory_space<hbm>> -> memref<1x1024x1024xf32, #tpu.memory_space<hbm>>
      %dma_start3A_25 = tpu.memref_squeeze %dma_start3A_24 : memref<1x1024x1024xf32, #tpu.memory_space<hbm>> -> memref<1024x1024xf32, #tpu.memory_space<hbm>>
      %dma_start3A_26 = arith.constant 0 : i32
      %dma_start3A_27 = tpu.memref_slice %dma_start3A_25[%mul3A_2, %dma_start3A_26] : memref<1024x1024xf32, #tpu.memory_space<hbm>> -> memref<32x1024xf32, #tpu.memory_space<hbm>>
      %dma_start3A_28 = arith.constant 0 : i32
      %dma_start3A_29 = arith.constant 0 : i32
      %dma_start3A_30 = tpu.memref_slice %arg4[%mul3A_16, %dma_start3A_28, %dma_start3A_29] : memref<50x1024x1024xf32, #tpu.memory_space<hbm>> -> memref<1x1024x1024xf32, #tpu.memory_space<hbm>>
      %dma_start3A_31 = tpu.memref_squeeze %dma_start3A_30 : memref<1x1024x1024xf32, #tpu.memory_space<hbm>> -> memref<1024x1024xf32, #tpu.memory_space<hbm>>
      %dma_start3A_32 = arith.constant 0 : i32
      %dma_start3A_33 = tpu.memref_slice %dma_start3A_31[%mul3A_2, %dma_start3A_32] : memref<1024x1024xf32, #tpu.memory_space<hbm>> -> memref<32x1024xf32, #tpu.memory_space<hbm>>
      tpu.enqueue_dma source(%arg6 : memref<32x1024xf32, #tpu.memory_space<vmem>>) target(%dma_start3A_33 : memref<32x1024xf32, #tpu.memory_space<hbm>>) target_semaphore(%arg10 : memref<!tpu.dma_semaphore, #tpu.memory_space<semaphore_mem>>)
      %add3A_34 = arith.constant 1 : i32
      %add3A_35 = arith.addi %mul3A_16, %add3A_34 : i32
      %dma_start3A_36 = arith.constant 0 : i32
      %dma_start3A_37 = tpu.memref_slice %arg5[%add3A_35, %dma_start3A_36] : memref<50x32xi32, #tpu.memory_space<vmem>> -> memref<1x32xi32, #tpu.memory_space<vmem>>
      %dma_start3A_38 = tpu.memref_squeeze %dma_start3A_37 : memref<1x32xi32, #tpu.memory_space<vmem>> -> memref<32xi32, #tpu.memory_space<vmem>>
      %dma_start3A_39 = arith.constant 0 : i32
      %dma_start3A_40 = arith.constant 0 : i32
      %dma_start3A_41 = tpu.memref_slice %arg2[%dma_start3A_39, %dma_start3A_40] : memref<1000x1024xf32, #tpu.memory_space<hbm>> -> memref<1000x1024xf32, #tpu.memory_space<hbm>>
      tpu.enqueue_indirect_dma source(%dma_start3A_41 : memref<1000x1024xf32, #tpu.memory_space<hbm>>) target(%arg7 : memref<32x1024xf32, #tpu.memory_space<vmem>>) offsets(%dma_start3A_38 : memref<32xi32, #tpu.memory_space<vmem>>) semaphore(%arg9 : memref<!tpu.dma_semaphore, #tpu.memory_space<semaphore_mem>>)
      %add3A_42 = arith.constant 1 : i32
      %add3A_43 = arith.addi %mul3A_16, %add3A_42 : i32
      %dma_wait3A_44 = arith.constant 0 : i32
      %dma_wait3A_45 = tpu.memref_slice %arg5[%add3A_43, %dma_wait3A_44] : memref<50x32xi32, #tpu.memory_space<vmem>> -> memref<1x32xi32, #tpu.memory_space<vmem>>
      %dma_wait3A_46 = tpu.memref_squeeze %dma_wait3A_45 : memref<1x32xi32, #tpu.memory_space<vmem>> -> memref<32xi32, #tpu.memory_space<vmem>>
      %dma_wait3A_47 = arith.constant 0 : i32
      %dma_wait3A_48 = arith.constant 0 : i32
      %dma_wait3A_49 = tpu.memref_slice %arg2[%dma_wait3A_47, %dma_wait3A_48] : memref<1000x1024xf32, #tpu.memory_space<hbm>> -> memref<1000x1024xf32, #tpu.memory_space<hbm>>
      tpu.wait_indirect_dma semaphore(%arg9 : memref<!tpu.dma_semaphore, #tpu.memory_space<semaphore_mem>>) src(%dma_wait3A_49 : memref<1000x1024xf32, #tpu.memory_space<hbm>>) dst(%arg7 : memref<32x1024xf32, #tpu.memory_space<vmem>>)
      %add3A_50 = arith.constant 1 : i32
      %add3A_51 = arith.addi %mul3A_16, %add3A_50 : i32
      %dma_start3A_52 = arith.constant 0 : i32
      %dma_start3A_53 = arith.constant 0 : i32
      %dma_start3A_54 = tpu.memref_slice %arg4[%add3A_51, %dma_start3A_52, %dma_start3A_53] : memref<50x1024x1024xf32, #tpu.memory_space<hbm>> -> memref<1x1024x1024xf32, #tpu.memory_space<hbm>>
      %dma_start3A_55 = tpu.memref_squeeze %dma_start3A_54 : memref<1x1024x1024xf32, #tpu.memory_space<hbm>> -> memref<1024x1024xf32, #tpu.memory_space<hbm>>
      %dma_start3A_56 = arith.constant 0 : i32
      %dma_start3A_57 = tpu.memref_slice %dma_start3A_55[%mul3A_2, %dma_start3A_56] : memref<1024x1024xf32, #tpu.memory_space<hbm>> -> memref<32x1024xf32, #tpu.memory_space<hbm>>
      %dma_start3A_58 = arith.constant 0 : i32
      %dma_start3A_59 = arith.constant 0 : i32
      %dma_start3A_60 = tpu.memref_slice %arg4[%add3A_51, %dma_start3A_58, %dma_start3A_59] : memref<50x1024x1024xf32, #tpu.memory_space<hbm>> -> memref<1x1024x1024xf32, #tpu.memory_space<hbm>>
      %dma_start3A_61 = tpu.memref_squeeze %dma_start3A_60 : memref<1x1024x1024xf32, #tpu.memory_space<hbm>> -> memref<1024x1024xf32, #tpu.memory_space<hbm>>
      %dma_start3A_62 = arith.constant 0 : i32
      %dma_start3A_63 = tpu.memref_slice %dma_start3A_61[%mul3A_2, %dma_start3A_62] : memref<1024x1024xf32, #tpu.memory_space<hbm>> -> memref<32x1024xf32, #tpu.memory_space<hbm>>
      tpu.enqueue_dma source(%arg7 : memref<32x1024xf32, #tpu.memory_space<vmem>>) target(%dma_start3A_63 : memref<32x1024xf32, #tpu.memory_space<hbm>>) target_semaphore(%arg11 : memref<!tpu.dma_semaphore, #tpu.memory_space<semaphore_mem>>)
      %dma_wait3A_64 = arith.constant 0 : i32
      %dma_wait3A_65 = arith.constant 0 : i32
      %dma_wait3A_66 = tpu.memref_slice %arg4[%mul3A_16, %dma_wait3A_64, %dma_wait3A_65] : memref<50x1024x1024xf32, #tpu.memory_space<hbm>> -> memref<1x1024x1024xf32, #tpu.memory_space<hbm>>
      %dma_wait3A_67 = tpu.memref_squeeze %dma_wait3A_66 : memref<1x1024x1024xf32, #tpu.memory_space<hbm>> -> memref<1024x1024xf32, #tpu.memory_space<hbm>>
      %dma_wait3A_68 = arith.constant 0 : i32
      %dma_wait3A_69 = tpu.memref_slice %dma_wait3A_67[%mul3A_2, %dma_wait3A_68] : memref<1024x1024xf32, #tpu.memory_space<hbm>> -> memref<32x1024xf32, #tpu.memory_space<hbm>>
      %dma_wait3A_70 = arith.constant 0 : i32
      %dma_wait3A_71 = arith.constant 0 : i32
      %dma_wait3A_72 = tpu.memref_slice %arg4[%mul3A_16, %dma_wait3A_70, %dma_wait3A_71] : memref<50x1024x1024xf32, #tpu.memory_space<hbm>> -> memref<1x1024x1024xf32, #tpu.memory_space<hbm>>
      %dma_wait3A_73 = tpu.memref_squeeze %dma_wait3A_72 : memref<1x1024x1024xf32, #tpu.memory_space<hbm>> -> memref<1024x1024xf32, #tpu.memory_space<hbm>>
      %dma_wait3A_74 = arith.constant 0 : i32
      %dma_wait3A_75 = tpu.memref_slice %dma_wait3A_73[%mul3A_2, %dma_wait3A_74] : memref<1024x1024xf32, #tpu.memory_space<hbm>> -> memref<32x1024xf32, #tpu.memory_space<hbm>>
      tpu.wait_dma2 semaphore(%arg10 : memref<!tpu.dma_semaphore, #tpu.memory_space<semaphore_mem>>) src(%arg6 : memref<32x1024xf32, #tpu.memory_space<vmem>>) dst(%dma_wait3A_75 : memref<32x1024xf32, #tpu.memory_space<hbm>>)
      %lt3A = arith.constant 24 : i32
      %lt3A_76 = arith.cmpi slt, %scan3A_14, %lt3A : i32
      %convert_element_type3A = arith.extui %lt3A_76 : i1 to i32
      %cond3A = arith.constant 0 : i32
      %cond3A_77 = arith.cmpi ne, %convert_element_type3A, %cond3A : i32
      scf.if %cond3A_77 {
        %add3A_92 = arith.constant 2 : i32
        %add3A_93 = arith.addi %mul3A_16, %add3A_92 : i32
        %dma_start3A_94 = arith.constant 0 : i32
        %dma_start3A_95 = tpu.memref_slice %arg5[%add3A_93, %dma_start3A_94] : memref<50x32xi32, #tpu.memory_space<vmem>> -> memref<1x32xi32, #tpu.memory_space<vmem>>
        %dma_start3A_96 = tpu.memref_squeeze %dma_start3A_95 : memref<1x32xi32, #tpu.memory_space<vmem>> -> memref<32xi32, #tpu.memory_space<vmem>>
        %dma_start3A_97 = arith.constant 0 : i32
        %dma_start3A_98 = arith.constant 0 : i32
        %dma_start3A_99 = tpu.memref_slice %arg2[%dma_start3A_97, %dma_start3A_98] : memref<1000x1024xf32, #tpu.memory_space<hbm>> -> memref<1000x1024xf32, #tpu.memory_space<hbm>>
        tpu.enqueue_indirect_dma source(%dma_start3A_99 : memref<1000x1024xf32, #tpu.memory_space<hbm>>) target(%arg6 : memref<32x1024xf32, #tpu.memory_space<vmem>>) offsets(%dma_start3A_96 : memref<32xi32, #tpu.memory_space<vmem>>) semaphore(%arg8 : memref<!tpu.dma_semaphore, #tpu.memory_space<semaphore_mem>>)
      } else {
      }
      %add3A_78 = arith.constant 1 : i32
      %add3A_79 = arith.addi %mul3A_16, %add3A_78 : i32
      %dma_wait3A_80 = arith.constant 0 : i32
      %dma_wait3A_81 = arith.constant 0 : i32
      %dma_wait3A_82 = tpu.memref_slice %arg4[%add3A_79, %dma_wait3A_80, %dma_wait3A_81] : memref<50x1024x1024xf32, #tpu.memory_space<hbm>> -> memref<1x1024x1024xf32, #tpu.memory_space<hbm>>
      %dma_wait3A_83 = tpu.memref_squeeze %dma_wait3A_82 : memref<1x1024x1024xf32, #tpu.memory_space<hbm>> -> memref<1024x1024xf32, #tpu.memory_space<hbm>>
      %dma_wait3A_84 = arith.constant 0 : i32
      %dma_wait3A_85 = tpu.memref_slice %dma_wait3A_83[%mul3A_2, %dma_wait3A_84] : memref<1024x1024xf32, #tpu.memory_space<hbm>> -> memref<32x1024xf32, #tpu.memory_space<hbm>>
      %dma_wait3A_86 = arith.constant 0 : i32
      %dma_wait3A_87 = arith.constant 0 : i32
      %dma_wait3A_88 = tpu.memref_slice %arg4[%add3A_79, %dma_wait3A_86, %dma_wait3A_87] : memref<50x1024x1024xf32, #tpu.memory_space<hbm>> -> memref<1x1024x1024xf32, #tpu.memory_space<hbm>>
      %dma_wait3A_89 = tpu.memref_squeeze %dma_wait3A_88 : memref<1x1024x1024xf32, #tpu.memory_space<hbm>> -> memref<1024x1024xf32, #tpu.memory_space<hbm>>
      %dma_wait3A_90 = arith.constant 0 : i32
      %dma_wait3A_91 = tpu.memref_slice %dma_wait3A_89[%mul3A_2, %dma_wait3A_90] : memref<1024x1024xf32, #tpu.memory_space<hbm>> -> memref<32x1024xf32, #tpu.memory_space<hbm>>
      tpu.wait_dma2 semaphore(%arg11 : memref<!tpu.dma_semaphore, #tpu.memory_space<semaphore_mem>>) src(%arg7 : memref<32x1024xf32, #tpu.memory_space<vmem>>) dst(%dma_wait3A_91 : memref<32x1024xf32, #tpu.memory_space<hbm>>)
    }
    %scan3A_13 = arith.constant 25 : i32
    return
  }
}

</mosaic_0001>

<sc_bundles>
// kernel: kernel.3.cloned.1.call-start
scs
__scs_entry_jumppad:
0x0: {  	(pc) =	sbr.rel $0x88, $3  }
0x1: {  	(tag) =	ssettag $0x0;
	lr =	simm.s32 $0x1  }
0x2: {  	[smem:$0x3F9F] =	sst lr;
	_ =	strace $0xD0000000  }
0x3: {  	_ = 	snop  }
0x4: {  	_ = 	snop  }
0x5: {  	_ = 	snop  }
0x6: {  	_ = 	snop  }
0x7: {  	_ = 	snop  }
__scs_overlays_trampoline_lowered:
0x8: {  	[smem:$0x3FAE] =	sst s0  }
0x9: {  	[smem:$0x3FAF] =	sst s1  }
0xa: {  	[smem:$0x3FB0] =	sst s2  }
0xb: {  	[smem:$0x3FB1] =	sst s3  }
0xc: {  	[smem:$0x3FB2] =	sst s4  }
0xd: {  	[smem:$0x3FB3] =	sst s5  }
0xe: {  	[smem:$0x3FB4] =	sst s6  }
0xf: {  	[smem:$0x3FB5] =	sst s7  }
0x10: {  	[smem:$0x3FB6] =	sst s8  }
0x11: {  	[smem:$0x3FB7] =	sst s9;
	s0 =	simm.s32 @!p0 $0x0  }
0x12: {  	s1 =	sld [smem:$0x3F9D];
	s0 =	simm.s32 @p0 $0x1  }
0x13: {  	[smem:$0x3FB8] =	sst s0;
	s0 =	simm.s32 @!p1 $0x0  }
0x14: {  	s2 =	sld [smem:$0x3F9C];
	s0 =	simm.s32 @p1 $0x1  }
0x15: {  	[smem:$0x3FB9] =	sst s0;
	s0 =	simm.s32 @!p2 $0x0  }
0x16: {  	s3 =	sld [smem:$0x3FDB];
	s0 =	simm.s32 @p2 $0x1  }
0x17: {  	s4 =	simm.s32 $0x1BF5;
	[smem:$0x3FBB] =	sst s0  }
0x18: {  	s0 =	sld [smem:$0x3F9E];
	_ =	swait.ge [sflag:s4], $0x0  }
0x19: {  	s7 =	sld [smem:$0x3F9F]  }
0x1a: {  	s8 =	sadd.s32 $0xFFFFE003, lr  }
0x1b: {  	s9 =	sadd.s32 $0xFFFFFEF7, lr;
	s5 =	simm.s32 $0xFFFFFFFF;
	p2 =	slt.u32 s8, $0xFFFFF086  }
0x1c: {  	p1 =	slt.u32 s9, $0xF7A;
	s5 =	simm.s32 @!p2 $0x0  }
0x1d: {  	s5 =	simm.s32 @p1 $0x1;
	p0 =	seq.s32 s7, s2  }
0x1e: {  	s7 =	smul.u32 @!p0 $0xF7A, s2;
	p2 =	seq.s32 @!p0 s5, $0x0  }
0x1f: {  	s9 =	smul.u32 $0xF7A, s1;
	s8 =	simm.s32 @!p0 $0x1BF5;
	p2 =	por !p2, p0  }
0x20: {  	[sflag:s8] =	ssyncset.s32 @!p0 $0xFFFFF086;
	s6 =	sadd.s32 @!p0 s3, s7;
	s7 =	simm.s32 @!p0 $0x108  }
0x21: {  	s3 =	sadd.s32 s3, s9;
	s6 =	sadd.s32 @!p0 $0x88, s6;
	s7 =	simm.s32 @p2 $0x1082  }
0x22: {  	[simem:s7], [sflag:s8] =	dma.local @!p0 [hbm:s6], $0xF7A  }
0x23: {  	s9 =	sor.u32 $0xD0000000, s2;
	s6 =	simm.s32 $0x108;
	_ =	swait.ge @!p0 [sflag:s8], $0x0  }
0x24: {  	s3 =	sadd.s32 $0x88, s3;
	s6 =	simm.s32 @!p1 $0x1082;
	[sflag:s4] =	ssyncset.s32 $0xFFFFF086  }
0x25: {  	[simem:s6], [sflag:s4] =	dma.local [hbm:s3], $0xF7A  }
0x26: {  	[smem:$0x3F9F] =	sst s1;
	(tag) =	ssettag s2;
	_ =	strace s9  }
0x27: {  	s1 =	sld [smem:$0x3FAF]  }
0x28: {  	s2 =	sld [smem:$0x3FB0]  }
0x29: {  	s4 =	sld [smem:$0x3FB2]  }
0x2a: {  	p0 =	seq.s32 s5, $0x0;
	s5 =	sld [smem:$0x3FB3]  }
0x2b: {  	s6 =	sld [smem:$0x3FB4]  }
0x2c: {  	s7 =	sld [smem:$0x3FB5]  }
0x2d: {  	s3 =	simm.s32 $0x108;
	s8 =	sld [smem:$0x3FB6]  }
0x2e: {  	s3 =	simm.s32 @!p0 $0x1082;
	s9 =	sld [smem:$0x3FB7]  }
0x2f: {  	lr =	sadd.s32 s0, s3;
	s0 =	sld [smem:$0x3FAE]  }
0x30: {  	s3 =	sld [smem:$0x3FB1]  }
0x31: {  	[smem:$0x3FBA] =	sst s10  }
0x32: {  	s10 =	sld [smem:$0x3FB8];
	_ =	sdelay $0x3  }
0x33: {  	p0 =	seq.s32 s10, $0x1;
	s10 =	sld [smem:$0x3FBA];
	_ =	sdelay $0x3  }
0x34: {  	[smem:$0x3FBA] =	sst s10  }
0x35: {  	s10 =	sld [smem:$0x3FB9];
	_ =	sdelay $0x3  }
0x36: {  	p1 =	seq.s32 s10, $0x1;
	s10 =	sld [smem:$0x3FBA];
	_ =	sdelay $0x3  }
0x37: {  	[smem:$0x3FBA] =	sst s10  }
0x38: {  	s10 =	sld [smem:$0x3FBB]  }
0x39: {  	_ = 	snop;
	(pc) =	sbr.ind lr, $3  }
0x3a: {  	_ = 	snop  }
0x3b: {  	_ = 	snop  }
0x3c: {  	p2 =	seq.s32 s10, $0x1;
	s10 =	sld [smem:$0x3FBA]  }
0x3d: {  	_ =	shalt  }
0x3e: {  	_ =	shalt  }
0x3f: {  	_ =	shalt  }
0x40: {  	_ =	shalt  }
0x41: {  	_ =	shalt  }
0x42: {  	_ =	shalt  }
0x43: {  	_ =	shalt  }
0x44: {  	_ =	shalt  }
0x45: {  	_ =	shalt  }
0x46: {  	_ =	shalt  }
0x47: {  	_ =	shalt  }
0x48: {  	_ =	shalt  }
0x49: {  	_ =	shalt  }
0x4a: {  	_ =	shalt  }
0x4b: {  	_ =	shalt  }
0x4c: {  	_ =	shalt  }
0x4d: {  	_ =	shalt  }
0x4e: {  	_ =	shalt  }
0x4f: {  	_ =	shalt  }
0x50: {  	_ =	shalt  }
0x51: {  	_ =	shalt  }
0x52: {  	_ =	shalt  }
0x53: {  	_ =	shalt  }
0x54: {  	_ =	shalt  }
0x55: {  	_ =	shalt  }
0x56: {  	_ =	shalt  }
0x57: {  	_ =	shalt  }
0x58: {  	_ =	shalt  }
0x59: {  	_ =	shalt  }
0x5a: {  	_ =	shalt  }
0x5b: {  	_ =	shalt  }
0x5c: {  	_ =	shalt  }
0x5d: {  	_ =	shalt  }
0x5e: {  	_ =	shalt  }
0x5f: {  	_ =	shalt  }
0x60: {  	_ =	shalt  }
0x61: {  	_ =	shalt  }
0x62: {  	_ =	shalt  }
0x63: {  	_ =	shalt  }
0x64: {  	_ =	shalt  }
0x65: {  	_ =	shalt  }
0x66: {  	_ =	shalt  }
0x67: {  	_ =	shalt  }
0x68: {  	_ =	shalt  }
0x69: {  	_ =	shalt  }
0x6a: {  	_ =	shalt  }
0x6b: {  	_ =	shalt  }
0x6c: {  	_ =	shalt  }
0x6d: {  	_ =	shalt  }
0x6e: {  	_ =	shalt  }
0x6f: {  	_ =	shalt  }
0x70: {  	_ =	shalt  }
0x71: {  	_ =	shalt  }
0x72: {  	_ =	shalt  }
0x73: {  	_ =	shalt  }
0x74: {  	_ =	shalt  }
0x75: {  	_ =	shalt  }
0x76: {  	_ =	shalt  }
0x77: {  	_ =	shalt  }
0x78: {  	_ =	shalt  }
0x79: {  	_ =	shalt  }
0x7a: {  	_ =	shalt  }
0x7b: {  	_ =	shalt  }
0x7c: {  	_ =	shalt  }
0x7d: {  	_ =	shalt  }
0x7e: {  	_ =	shalt  }
0x7f: {  	_ =	shalt  }
0x80: {  	_ =	shalt  }
0x81: {  	_ =	shalt  }
0x82: {  	_ =	shalt  }
0x83: {  	_ =	shalt  }
0x84: {  	_ =	shalt  }
0x85: {  	_ =	shalt  }
0x86: {  	_ =	shalt  }
0x87: {  	_ =	shalt  }
.Lfunc_end0:
.L_simem_size_0:
called_computation_lowered:
.L_overlay_start_0:
0x88: {  	s2 =	sld [smem:$0x3FD9]  }
0x89: {  	s3 =	sld [smem:$0x3FFE];
	_ =	sdelay $0x1  }
0x8a: {  	s1 =	srdreg.scid  }
0x8b: {  	s0 =	sand.u32 $0x1, s1  }
0x8c: {  	s17 =	sshll.u32 s0, $0xA;
	s2 =	sadd.s32 s3, s2  }
0x8d: {  	s2 =	sadd.s32 s2, s17  }
0x8e: {  	[smem:$0x3FC6] =	sst s2  }
0x8f: {  	_ = 	snop  }
0x90: {  	s2 =	sld [smem:$0x3FC8]  }
0x91: {  	s18 =	sld [smem:$0x3FD0];
	(tm) =	ssettm $0x1  }
0x92: {  	s4 =	sld [smem:$0x3FFB];
	_ =	sdelay $0x3  }
0x93: {  	_ =	strace s4  }
0x94: {  	s4 =	sld [smem:$0x3FFC];
	_ =	sdelay $0x3  }
0x95: {  	_ =	strace s4  }
0x96: {  	s4 =	sld [smem:$0x3FFD];
	_ =	sdelay $0x3  }
0x97: {  	_ =	strace s4  }
0x98: {  	_ =	strace $0x8FFFFFFF  }
0x99: {  	s19 =	sld [smem:$0x3FDB];
	_ =	sdelay $0x1  }
0x9a: {  	s5 =	simm.s32 $_scs_section_size  }
0x9b: {  	s6 =	simm.s32 $_size__tile_overlayer_lowered;
	s7 =	simm.s32 $_tile_overlayer_lowered  }
0x9c: {  	s22 =	simm.s32 $0x1BFF;
	s21 =	sshll.u32 s7, $0x1;
	s4 =	sadd.s32 s5, s19  }
0x9d: {  	s8 =	simm.s32 $0x0;
	s20 =	sshll.u32 s6, $0x1;
	s6 =	sadd.s32 s21, s4  }
0x9e: {  	[timem:s8], [sflag:s22] =	dma.local [hbm:s6], s20  }
0x9f: {  	_ =	swait.ge [sflag:s22], s20  }
0xa0: {  	s5 =	ssub.s32 $0x0, s20;
	[sflag:s22] =	ssyncset.done $0x0  }
0xa1: {  	[sflag:s22] =	ssyncadd.s32 s5;
	_ =	sdelay $0x1  }
0xa2: {  	s23 =	simm.s32 $0x1B8B  }
0xa3: {  	_ =	swait.ge [sflag:s23], $0x1  }
0xa4: {  	[sflag:s23] =	ssyncset.done $0x0  }
0xa5: {  	s25 =	simm.s32 $0x1B8E;
	s24 =	sld [smem:$0x3FFE];
	[sflag:s23] =	ssyncadd.s32 $0xFFFFFFFF  }
0xa6: {  	s26 =	simm.s32 $execute0_lowered;
	[smem:$0x3FD2] =	sst s25  }
0xa7: {  	s6 =	sshll.u32 s26, $0x1;
	_ =	strace $0x80000046;
	[dreg:$0x1] =	wrdreg $0xFFFFFFFF  }
0xa8: {  	s28 =	simm.s32 $_size_execute0_lowered;
	s4 =	sadd.s32 s4, s6;
	[dreg:$0x0] =	wrdreg $0x0  }
0xa9: {  	s6 =	sshll.u32 s28, $0x1;
	[dreg:$0x2] =	wrdreg s4  }
0xaa: {  	[dreg:$0x3] =	wrdreg s6  }
0xab: {  	[dreg:$0x4] =	wrdreg $0xC0  }
0xac: {  	_ =	task [dreg:s8], $0x5FFFF  }
0xad: {  	[dreg:$0x1] =	wrdreg $0xFFFFFFFF  }
0xae: {  	[dreg:$0x0] =	wrdreg $0x60  }
0xaf: {  	[dreg:$0x2] =	wrdreg s2  }
0xb0: {  	[dreg:$0x3] =	wrdreg s24  }
0xb1: {  	[dreg:$0x4] =	wrdreg s18  }
0xb2: {  	[dreg:$0x5] =	wrdreg $0x9  }
0xb3: {  	_ =	task.clear_ibuf [dreg:s8], $0x6FFFF;
	_ =	strace $0x90000046  }
0xb4: {  	s29 =	simm.s32 $0x9;
	_ =	strace $0x80000048  }
0xb5: {  	_ =	swait.ge [sflag:s29], $0x1  }
0xb6: {  	[sflag:s29] =	ssyncadd.s32 $0xFFFFFFFF  }
0xb7: {  	_ =	strace $0x90000048  }
0xb8: {  	_ =	sfence  }
0xb9: {  	s30 =	sld [smem:$0x0];
	_ =	sdelay $0x2  }
0xba: {  	s31 =	sshll.u32 s1, $0xD;
	s1 =	sshrl.u32 s1, $0x2  }
0xbb: {  	s3 =	sand.u32 $0x4000, s31;
	s1 =	sadd.s32 s1, s30  }
0xbc: {  	s0 =	sor.u32 s3, s0;
	s1 =	sshll.u32 s1, $0x11  }
0xbd: {  	s0 =	sor.u32 s1, s0  }
0xbe: {  	s0 =	sadd.s32 $0x8F2B, s0  }
0xbf: {  	[sflag:s0] =	ssyncadd.remote.s32 $0x1  }
0xc0: {  	_ =	sfence.sel $0xFFFF  }
0xc1: {  	[dreg:$0x0] =	wrdreg $0xFFFFFFFF;
	(pc) =	sbr.abs _section_cstart, $3  }
0xc2: {  	[dreg:$0x1] =	wrdreg $0xFFFFFFFF  }
0xc3: {  	_ =	task.clear_ibuf [dreg:s8], $0x2FFFF;
	_ =	strace $0x9FFFFFFF  }
0xc4: {  	(tm) =	ssettm $0x7FFFFFFF  }
0xc5: {  	_ =	shalt  }
tec
execute0_lowered:
.L_overlay_start_1:
0x0: {  	(tag) =	ssettag $0x1  }
0x1: {  	s1 =	rddreg [dreg:$0x0]  }
0x2: {  	s0 =	rddreg [dreg:$0x1]  }
0x3: {  	s2 =	rddreg [dreg:$0x2];
	s3 =	srdreg.scid  }
0x4: {  	s4 =	stileid.u32;
	s12 =	simm.s32 $0xA400;
	s13 =	simm.s32 $0xAC00  }
0x5: {  	s14 =	simm.s32 $0xB400;
	s15 =	simm.s32 $0xBC00;
	s16 =	simm.s32 $0xC400  }
0x6: {  	s17 =	simm.s32 $0xCC00;
	s18 =	simm.s32 $0xD400;
	s19 =	simm.s32 $0xDC00  }
0x7: {  	[dreg:$0x4] =	wrdreg s2;
	s8 =	sand.u32 $0x1, s3;
	s3 =	simm.s32 $0x0  }
0x8: {  	s20 =	simm.s32 $0xE400;
	s21 =	simm.s32 $0xEC00;
	[smem:$0x7FF] =	sst s3  }
0x9: {  	s22 =	simm.s32 $0xF400;
	_ =	strace $0x80000047;
	[dreg:$0x6] =	wrdreg s12  }
0xa: {  	s23 =	simm.s32 $0xFC00;
	s24 =	simm.s32 $0x10400;
	[dreg:$0x7] =	wrdreg s13  }
0xb: {  	s25 =	simm.s32 $0x10C00;
	s26 =	simm.s32 $0x11400;
	[dreg:$0x8] =	wrdreg s14  }
0xc: {  	s28 =	simm.s32 $0x9C00;
	s29 =	simm.s32 $0x2;
	[dreg:$0x9] =	wrdreg s15  }
0xd: {  	s30 =	simm.s32 $0x3;
	s31 =	simm.s32 $0x4;
	[dreg:$0xa] =	wrdreg s16  }
0xe: {  	s9 =	sshll.u32 s4, $0x1;
	s7 =	sadd.s32 $0x300, s1;
	[dreg:$0xb] =	wrdreg s17  }
0xf: {  	s6 =	sor.u32 s8, s9;
	s2 =	ssub.s32 $0x2, s8;
	[dreg:$0xc] =	wrdreg s18  }
0x10: {  	s9 =	simm.s32 $0x5;
	s10 =	smul.u32 $0x380, s6;
	[dreg:$0xd] =	wrdreg s19  }
0x11: {  	s5 =	sshrl.u32 s2, $0x1;
	s11 =	sshll.u32 s6, $0xC;
	[dreg:$0xe] =	wrdreg s20  }
0x12: {  	s6 =	sadd.s32 $0x200, s1;
	s15 =	simm.s32 $0x4400;
	[dreg:$0xf] =	wrdreg s21  }
0x13: {  	s16 =	simm.s32 $0x4C00;
	s17 =	simm.s32 $0x5400;
	[dreg:$0x10] =	wrdreg s22  }
0x14: {  	s18 =	simm.s32 $0x5C00;
	s19 =	simm.s32 $0x6400;
	[dreg:$0x11] =	wrdreg s23  }
0x15: {  	s20 =	simm.s32 $0x6C00;
	s21 =	simm.s32 $0x7400;
	[dreg:$0x12] =	wrdreg s24  }
0x16: {  	s22 =	simm.s32 $0x7C00;
	s23 =	simm.s32 $0x8400;
	[dreg:$0x13] =	wrdreg s25  }
0x17: {  	s24 =	simm.s32 $0x8C00;
	[dreg:$0x14] =	wrdreg s26;
	s25 =	simm.s32 $0x9400  }
0x18: {  	v2 =	vlaneseq.u32;
	s26 =	simm.s32 $0x1;
	s2 =	ssub.s32 s2, s5;
	s5 =	sadd.s32 $0x100, s1  }
0x19: {  	vm0 =	vmmov $0xffff;
	v1 =	vshrl.u32 v2, $0x3;
	[dreg:$0x5] =	wrdreg s11;
	s0 =	sadd.s32 s10, s0;
	s8 =	smax.u32 s2, $0x1  }
0x1a: {  	v0 =	vand.u32 $0x7, v2;
	v2 =	vor.u32 $0x8, v2;
	v1 =	vmul.u32 $0x8, v1;
	s10 =	simm.s32 $0x1C00;
	s2 =	simm.s32 $0x0;
	s4 =	sadd.s32 $0x400, s0  }
.LBB2_1:
0x1b: {  	[tilespmem:s3], [sflag:$0x5] =	stream.linear.gather [hbm4b:s4+s3], $0x1900, $0x38;
	[tilespmem:$0x11C00] =	vst v63  }
0x1c: {  	_ =	swait.ge [sflag:s9], $0x1900  }
0x1d: {  	[sflag:s9] =	ssyncset.done $0x0  }
0x1e: {  	[sflag:s9] =	ssyncadd.s32 $0xFFFFE700  }
0x1f: {  	v3 =	vld [tilespmem:$0x0];
	_ =	sdelay $0x4  }
0x20: {  	v4 =	vshll.u32 v3, $0x3  }
0x21: {  	v3 =	vand.u32 $0x7, v3;
	v4 =	vand.u32 $0xFFFFFFC0, v4  }
0x22: {  	v3 =	vor.u32 v3, v4  }
0x23: {  	v4 =	vperm.xlane v3, v0;
	_ =	sdelay $0x1  }
0x24: {  	v4 =	vadd.s32 v1, v4;
	_ =	sdelay $0x4  }
0x25: {  	[tilespmem:s10], [sflag:$0x1] =	stream.indirect_vreg.gather [hbm4b:s1+s3], $0x80, v4, vm0, $0xb8;
	[tilespmem:$0x11C00] =	vst v63  }
0x26: {  	s0 =	simm.s32 $0x2400;
	v3 =	vperm.xlane v3, v2  }
0x27: {  	[tilespmem:s0], [sflag:$0x1] =	stream.indirect_vreg.gather [hbm4b:s5+s3], $0x80, v4, vm0, $0xb8;
	[tilespmem:$0x11C00] =	vst v63  }
0x28: {  	s12 =	simm.s32 $0x2C00;
	v3 =	vadd.s32 v1, v3  }
0x29: {  	[tilespmem:s12], [sflag:$0x1] =	stream.indirect_vreg.gather [hbm4b:s6+s3], $0x80, v4, vm0, $0xb8;
	[tilespmem:$0x11C00] =	vst v63  }
0x2a: {  	s13 =	simm.s32 $0x3400  }
0x2b: {  	[tilespmem:s13], [sflag:$0x1] =	stream.indirect_vreg.gather [hbm4b:s7+s3], $0x80, v4, vm0, $0xb8;
	[tilespmem:$0x11C00] =	vst v63  }
0x2c: {  	s14 =	simm.s32 $0x3C00  }
0x2d: {  	[tilespmem:s14], [sflag:$0x1] =	stream.indirect_vreg.gather [hbm4b:s1+s3], $0x80, v3, vm0, $0xb8;
	[tilespmem:$0x11C00] =	vst v63  }
0x2e: {  	_ = 	snop  }
0x2f: {  	[tilespmem:s15], [sflag:$0x1] =	stream.indirect_vreg.gather [hbm4b:s5+s3], $0x80, v3, vm0, $0xb8;
	[tilespmem:$0x11C00] =	vst v63  }
0x30: {  	_ = 	snop  }
0x31: {  	[tilespmem:s16], [sflag:$0x1] =	stream.indirect_vreg.gather [hbm4b:s6+s3], $0x80, v3, vm0, $0xb8;
	[tilespmem:$0x11C00] =	vst v63  }
0x32: {  	_ = 	snop  }
0x33: {  	[tilespmem:s17], [sflag:$0x1] =	stream.indirect_vreg.gather [hbm4b:s7+s3], $0x80, v3, vm0, $0xb8;
	[tilespmem:$0x11C00] =	vst v63  }
0x34: {  	v3 =	vld [tilespmem:$0x10];
	_ =	sdelay $0x4  }
0x35: {  	v63 =	vshll.u32 v3, $0x3  }
0x36: {  	v3 =	vand.u32 $0x7, v3;
	v4 =	vand.u32 $0xFFFFFFC0, v63  }
0x37: {  	v3 =	vor.u32 v3, v4  }
0x38: {  	v4 =	vperm.xlane v3, v0;
	_ =	sdelay $0x1  }
0x39: {  	v4 =	vadd.s32 v1, v4;
	_ =	sdelay $0x4  }
0x3a: {  	[tilespmem:s18], [sflag:$0x1] =	stream.indirect_vreg.gather [hbm4b:s1+s3], $0x80, v4, vm0, $0xb8;
	[tilespmem:$0x11C00] =	vst v63  }
0x3b: {  	v3 =	vperm.xlane v3, v2  }
0x3c: {  	[tilespmem:s19], [sflag:$0x1] =	stream.indirect_vreg.gather [hbm4b:s5+s3], $0x80, v4, vm0, $0xb8;
	[tilespmem:$0x11C00] =	vst v63  }
0x3d: {  	v3 =	vadd.s32 v1, v3  }
0x3e: {  	[tilespmem:s20], [sflag:$0x1] =	stream.indirect_vreg.gather [hbm4b:s6+s3], $0x80, v4, vm0, $0xb8;
	[tilespmem:$0x11C00] =	vst v63  }
0x3f: {  	_ = 	snop  }
0x40: {  	[tilespmem:s21], [sflag:$0x1] =	stream.indirect_vreg.gather [hbm4b:s7+s3], $0x80, v4, vm0, $0xb8;
	[tilespmem:$0x11C00] =	vst v63  }
0x41: {  	_ = 	snop  }
0x42: {  	[tilespmem:s22], [sflag:$0x1] =	stream.indirect_vreg.gather [hbm4b:s1+s3], $0x80, v3, vm0, $0xb8;
	[tilespmem:$0x11C00] =	vst v63  }
0x43: {  	_ = 	snop  }
0x44: {  	[tilespmem:s23], [sflag:$0x1] =	stream.indirect_vreg.gather [hbm4b:s5+s3], $0x80, v3, vm0, $0xb8;
	[tilespmem:$0x11C00] =	vst v63  }
0x45: {  	_ = 	snop  }
0x46: {  	[tilespmem:s24], [sflag:$0x1] =	stream.indirect_vreg.gather [hbm4b:s6+s3], $0x80, v3, vm0, $0xb8;
	[tilespmem:$0x11C00] =	vst v63  }
0x47: {  	s11 =	simm.s32 $0x0;
	s0 =	simm.s32 $0x90  }
0x48: {  	[tilespmem:s25], [sflag:$0x1] =	stream.indirect_vreg.gather [hbm4b:s7+s3], $0x80, v3, vm0, $0xb8;
	[tilespmem:$0x11C00] =	vst v63  }
.LBB2_2:
0x49: {  	_ =	swait.ge [sflag:s26], $0x8000  }
0x4a: {  	s12 =	rddreg [dreg:$0x4]  }
0x4b: {  	s13 =	rddreg [dreg:$0x5];
	[sflag:s26] =	ssyncset.done $0x0;
	s12 =	sadd.s32 s11, s12  }
0x4c: {  	[sflag:s26] =	ssyncadd.s32 $0xFFFF8000;
	s12 =	sadd.s32 s13, s12  }
0x4d: {  	[hbm4b:s12+s3] =	stream.linear.scatter [tilespmem:s10], [sflag:$0x3], $0x8000, $0x38;
	[tilespmem:$0x11C00] =	vst v63  }
0x4e: {  	v3 =	vld [tilespmem:s0+$0xFFFFFFF0];
	_ =	sdelay $0x4  }
0x4f: {  	v4 =	vshll.u32 v3, $0x3  }
0x50: {  	v3 =	vand.u32 $0x7, v3;
	v4 =	vand.u32 $0xFFFFFFC0, v4  }
0x51: {  	v3 =	vor.u32 v3, v4  }
0x52: {  	v4 =	vperm.xlane v3, v0;
	_ =	sdelay $0x1  }
0x53: {  	v4 =	vadd.s32 v1, v4;
	_ =	sdelay $0x4  }
0x54: {  	[tilespmem:s28], [sflag:$0x2] =	stream.indirect_vreg.gather [hbm4b:s1+s3], $0x80, v4, vm0, $0xb8;
	[tilespmem:$0x11C00] =	vst v63  }
0x55: {  	s13 =	rddreg [dreg:$0x6];
	v3 =	vperm.xlane v3, v2  }
0x56: {  	[tilespmem:s13], [sflag:$0x2] =	stream.indirect_vreg.gather [hbm4b:s5+s3], $0x80, v4, vm0, $0xb8;
	[tilespmem:$0x11C00] =	vst v63  }
0x57: {  	s14 =	rddreg [dreg:$0x7];
	v3 =	vadd.s32 v1, v3  }
0x58: {  	[tilespmem:s14], [sflag:$0x2] =	stream.indirect_vreg.gather [hbm4b:s6+s3], $0x80, v4, vm0, $0xb8;
	[tilespmem:$0x11C00] =	vst v63  }
0x59: {  	s13 =	rddreg [dreg:$0x8]  }
0x5a: {  	[tilespmem:s13], [sflag:$0x2] =	stream.indirect_vreg.gather [hbm4b:s7+s3], $0x80, v4, vm0, $0xb8;
	[tilespmem:$0x11C00] =	vst v63  }
0x5b: {  	s14 =	rddreg [dreg:$0x9]  }
0x5c: {  	[tilespmem:s14], [sflag:$0x2] =	stream.indirect_vreg.gather [hbm4b:s1+s3], $0x80, v3, vm0, $0xb8;
	[tilespmem:$0x11C00] =	vst v63  }
0x5d: {  	s13 =	rddreg [dreg:$0xa]  }
0x5e: {  	[tilespmem:s13], [sflag:$0x2] =	stream.indirect_vreg.gather [hbm4b:s5+s3], $0x80, v3, vm0, $0xb8;
	[tilespmem:$0x11C00] =	vst v63  }
0x5f: {  	s14 =	rddreg [dreg:$0xb]  }
0x60: {  	[tilespmem:s14], [sflag:$0x2] =	stream.indirect_vreg.gather [hbm4b:s6+s3], $0x80, v3, vm0, $0xb8;
	[tilespmem:$0x11C00] =	vst v63  }
0x61: {  	s13 =	rddreg [dreg:$0xc]  }
0x62: {  	[tilespmem:s13], [sflag:$0x2] =	stream.indirect_vreg.gather [hbm4b:s7+s3], $0x80, v3, vm0, $0xb8;
	[tilespmem:$0x11C00] =	vst v63  }
0x63: {  	v3 =	vld [tilespmem:s0+$0x0];
	_ =	sdelay $0x4  }
0x64: {  	v63 =	vshll.u32 v3, $0x3  }
0x65: {  	v3 =	vand.u32 $0x7, v3;
	v4 =	vand.u32 $0xFFFFFFC0, v63  }
0x66: {  	v3 =	vor.u32 v3, v4  }
0x67: {  	v4 =	vperm.xlane v3, v0;
	_ =	sdelay $0x1  }
0x68: {  	v4 =	vadd.s32 v1, v4;
	_ =	sdelay $0x3  }
0x69: {  	s13 =	rddreg [dreg:$0xd]  }
0x6a: {  	[tilespmem:s13], [sflag:$0x2] =	stream.indirect_vreg.gather [hbm4b:s1+s3], $0x80, v4, vm0, $0xb8;
	[tilespmem:$0x11C00] =	vst v63  }
0x6b: {  	s14 =	rddreg [dreg:$0xe];
	v3 =	vperm.xlane v3, v2  }
0x6c: {  	[tilespmem:s14], [sflag:$0x2] =	stream.indirect_vreg.gather [hbm4b:s5+s3], $0x80, v4, vm0, $0xb8;
	[tilespmem:$0x11C00] =	vst v63  }
0x6d: {  	v3 =	vadd.s32 v1, v3;
	s13 =	rddreg [dreg:$0xf]  }
0x6e: {  	[tilespmem:s13], [sflag:$0x2] =	stream.indirect_vreg.gather [hbm4b:s6+s3], $0x80, v4, vm0, $0xb8;
	[tilespmem:$0x11C00] =	vst v63  }
0x6f: {  	s14 =	rddreg [dreg:$0x10]  }
0x70: {  	[tilespmem:s14], [sflag:$0x2] =	stream.indirect_vreg.gather [hbm4b:s7+s3], $0x80, v4, vm0, $0xb8;
	[tilespmem:$0x11C00] =	vst v63  }
0x71: {  	s13 =	rddreg [dreg:$0x11]  }
0x72: {  	[tilespmem:s13], [sflag:$0x2] =	stream.indirect_vreg.gather [hbm4b:s1+s3], $0x80, v3, vm0, $0xb8;
	[tilespmem:$0x11C00] =	vst v63  }
0x73: {  	s14 =	rddreg [dreg:$0x12]  }
0x74: {  	[tilespmem:s14], [sflag:$0x2] =	stream.indirect_vreg.gather [hbm4b:s5+s3], $0x80, v3, vm0, $0xb8;
	[tilespmem:$0x11C00] =	vst v63  }
0x75: {  	s13 =	rddreg [dreg:$0x13]  }
0x76: {  	[tilespmem:s13], [sflag:$0x2] =	stream.indirect_vreg.gather [hbm4b:s6+s3], $0x80, v3, vm0, $0xb8;
	[tilespmem:$0x11C00] =	vst v63  }
0x77: {  	s14 =	rddreg [dreg:$0x14]  }
0x78: {  	[tilespmem:s14], [sflag:$0x2] =	stream.indirect_vreg.gather [hbm4b:s7+s3], $0x80, v3, vm0, $0xb8;
	[tilespmem:$0x11C00] =	vst v63  }
0x79: {  	_ =	swait.ge [sflag:s29], $0x8000  }
0x7a: {  	[sflag:s29] =	ssyncset.done $0x0  }
0x7b: {  	s12 =	sadd.s32 $0x20000, s12;
	[sflag:s29] =	ssyncadd.s32 $0xFFFF8000  }
0x7c: {  	[hbm4b:s12+s3] =	stream.linear.scatter [tilespmem:s28], [sflag:$0x4], $0x8000, $0x38;
	[tilespmem:$0x11C00] =	vst v63  }
0x7d: {  	_ =	swait.ge [sflag:s30], $0x8000  }
0x7e: {  	[sflag:s30] =	ssyncset.done $0x0  }
0x7f: {  	p0 =	seq.s32 s11, $0x600000;
	[sflag:s30] =	ssyncadd.s32 $0xFFFF8000  }
0x80: {  	v3 =	vld @!p0 [tilespmem:s0+$0x70];
	_ =	sdelay $0x4  }
0x81: {  	v4 =	vshll.u32 @!p0 v3, $0x3  }
0x82: {  	v5 =	vlaneseq.u32 @!p0;
	v3 =	vand.u32 @!p0 $0x7, v3;
	v4 =	vand.u32 @!p0 $0xFFFFFFC0, v4  }
0x83: {  	v6 =	vshrl.u32 @!p0 v5, $0x3;
	v3 =	vor.u32 @!p0 v3, v4;
	v4 =	vand.u32 @!p0 $0x7, v5  }
0x84: {  	v6 =	vmul.u32 @!p0 $0x8, v6;
	v7 =	vperm.xlane @!p0 v3, v4;
	_ =	sdelay $0x1  }
0x85: {  	v7 =	vadd.s32 @!p0 v6, v7;
	_ =	sdelay $0x3  }
0x86: {  	vm1 =	vmmov @!p0 $0xffff;
	s13 =	simm.s32 @!p0 $0x1C00;
	s12 =	simm.s32 @!p0 $0x0  }
0x87: {  	v5 =	vor.u32 @!p0 $0x8, v5;
	[tilespmem:s13], [sflag:$0x1] =	stream.indirect_vreg.gather @!p0 [hbm4b:s1+s12], $0x80, v7, vm1, $0xb8;
	[tilespmem:$0x11C00] =	vst v63  }
0x88: {  	v3 =	vperm.xlane @!p0 v3, v5;
	s13 =	simm.s32 @!p0 $0x2400  }
0x89: {  	[tilespmem:s13], [sflag:$0x1] =	stream.indirect_vreg.gather @!p0 [hbm4b:s5+s12], $0x80, v7, vm1, $0xb8;
	[tilespmem:$0x11C00] =	vst v63  }
0x8a: {  	v3 =	vadd.s32 @!p0 v6, v3;
	s13 =	simm.s32 @!p0 $0x2C00  }
0x8b: {  	[tilespmem:s13], [sflag:$0x1] =	stream.indirect_vreg.gather @!p0 [hbm4b:s6+s12], $0x80, v7, vm1, $0xb8;
	[tilespmem:$0x11C00] =	vst v63  }
0x8c: {  	s13 =	simm.s32 @!p0 $0x3400  }
0x8d: {  	[tilespmem:s13], [sflag:$0x1] =	stream.indirect_vreg.gather @!p0 [hbm4b:s7+s12], $0x80, v7, vm1, $0xb8;
	[tilespmem:$0x11C00] =	vst v63  }
0x8e: {  	s13 =	simm.s32 @!p0 $0x3C00  }
0x8f: {  	[tilespmem:s13], [sflag:$0x1] =	stream.indirect_vreg.gather @!p0 [hbm4b:s1+s12], $0x80, v3, vm1, $0xb8;
	[tilespmem:$0x11C00] =	vst v63  }
0x90: {  	s13 =	simm.s32 @!p0 $0x4400  }
0x91: {  	[tilespmem:s13], [sflag:$0x1] =	stream.indirect_vreg.gather @!p0 [hbm4b:s5+s12], $0x80, v3, vm1, $0xb8;
	[tilespmem:$0x11C00] =	vst v63  }
0x92: {  	s13 =	simm.s32 @!p0 $0x4C00  }
0x93: {  	[tilespmem:s13], [sflag:$0x1] =	stream.indirect_vreg.gather @!p0 [hbm4b:s6+s12], $0x80, v3, vm1, $0xb8;
	[tilespmem:$0x11C00] =	vst v63  }
0x94: {  	s13 =	simm.s32 @!p0 $0x5400  }
0x95: {  	[tilespmem:s13], [sflag:$0x1] =	stream.indirect_vreg.gather @!p0 [hbm4b:s7+s12], $0x80, v3, vm1, $0xb8;
	[tilespmem:$0x11C00] =	vst v63  }
0x96: {  	v3 =	vld @!p0 [tilespmem:s0+$0x80];
	_ =	sdelay $0x4  }
0x97: {  	v7 =	vshll.u32 @!p0 v3, $0x3  }
0x98: {  	v3 =	vand.u32 @!p0 $0x7, v3;
	v7 =	vand.u32 @!p0 $0xFFFFFFC0, v7  }
0x99: {  	v3 =	vor.u32 @!p0 v3, v7  }
0x9a: {  	v4 =	vperm.xlane @!p0 v3, v4;
	_ =	sdelay $0x1  }
0x9b: {  	v4 =	vadd.s32 @!p0 v6, v4;
	_ =	sdelay $0x3  }
0x9c: {  	s13 =	simm.s32 @!p0 $0x5C00  }
0x9d: {  	[tilespmem:s13], [sflag:$0x1] =	stream.indirect_vreg.gather @!p0 [hbm4b:s1+s12], $0x80, v4, vm1, $0xb8;
	[tilespmem:$0x11C00] =	vst v63  }
0x9e: {  	v3 =	vperm.xlane @!p0 v3, v5;
	s13 =	simm.s32 @!p0 $0x6400  }
0x9f: {  	[tilespmem:s13], [sflag:$0x1] =	stream.indirect_vreg.gather @!p0 [hbm4b:s5+s12], $0x80, v4, vm1, $0xb8;
	[tilespmem:$0x11C00] =	vst v63  }
0xa0: {  	v3 =	vadd.s32 @!p0 v6, v3;
	s13 =	simm.s32 @!p0 $0x6C00  }
0xa1: {  	[tilespmem:s13], [sflag:$0x1] =	stream.indirect_vreg.gather @!p0 [hbm4b:s6+s12], $0x80, v4, vm1, $0xb8;
	[tilespmem:$0x11C00] =	vst v63  }
0xa2: {  	s13 =	simm.s32 @!p0 $0x7400  }
0xa3: {  	[tilespmem:s13], [sflag:$0x1] =	stream.indirect_vreg.gather @!p0 [hbm4b:s7+s12], $0x80, v4, vm1, $0xb8;
	[tilespmem:$0x11C00] =	vst v63  }
0xa4: {  	s13 =	simm.s32 @!p0 $0x7C00  }
0xa5: {  	[tilespmem:s13], [sflag:$0x1] =	stream.indirect_vreg.gather @!p0 [hbm4b:s1+s12], $0x80, v3, vm1, $0xb8;
	[tilespmem:$0x11C00] =	vst v63  }
0xa6: {  	s13 =	simm.s32 @!p0 $0x8400  }
0xa7: {  	[tilespmem:s13], [sflag:$0x1] =	stream.indirect_vreg.gather @!p0 [hbm4b:s5+s12], $0x80, v3, vm1, $0xb8;
	[tilespmem:$0x11C00] =	vst v63  }
0xa8: {  	s13 =	simm.s32 @!p0 $0x8C00  }
0xa9: {  	[tilespmem:s13], [sflag:$0x1] =	stream.indirect_vreg.gather @!p0 [hbm4b:s6+s12], $0x80, v3, vm1, $0xb8;
	[tilespmem:$0x11C00] =	vst v63  }
0xaa: {  	s11 =	sadd.s32 $0x40000, s11;
	s13 =	simm.s32 @!p0 $0x9400  }
0xab: {  	[tilespmem:s13], [sflag:$0x1] =	stream.indirect_vreg.gather @!p0 [hbm4b:s7+s12], $0x80, v3, vm1, $0xb8;
	[tilespmem:$0x11C00] =	vst v63  }
0xac: {  	p0 =	sne.s32 s11, $0x640000  }
.Ltmp0:
0xad: {  	_ = 	snop;
	(pc) =	sbr.rel @p0 .LBB2_2-.Ltmp0, $4  }
0xae: {  	_ = 	snop  }
0xaf: {  	_ =	swait.ge [sflag:s31], $0x8000  }
0xb0: {  	[sflag:s31] =	ssyncset.done $0x0  }
0xb1: {  	s0 =	sadd.s32 $0x100, s0;
	[sflag:s31] =	ssyncadd.s32 $0xFFFF8000  }
0xb2: {  	s2 =	sadd.s32 $0x1, s2  }
0xb3: {  	p0 =	sne.s32 s2, s8  }
.Ltmp1:
0xb4: {  	_ = 	snop;
	(pc) =	sbr.rel @p0 .LBB2_1-.Ltmp1, $1  }
0xb5: {  	_ =	sdelay $0x3  }
0xb6: {  	_ =	sfence.sel $0x180000  }
0xb7: {  	[bflag:$0x0] =	sbarrier.arrive $0xFFFF  }
0xb8: {  	_ =	strace $0x90000047  }
0xb9: {  	s0 =	stileid.u32;
	[bflag:$0x2] =	sbarrier.arrive $0xFFFF  }
0xba: {  	p0 =	sne.s32 s0, $0x0;
	s0 =	rddreg [dreg:$0x3]  }
0xbb: {  	s0 =	sadd.s32 @!p0 $0x100000, s0  }
0xbc: {  	[sflag:s0] =	ssyncadd.tile.s32 @!p0 $0x1;
	_ =	shalt  }
.Lfunc_end2:
_tile_overlayer_lowered:
.L_overlay_start_2:
0xbd: {  	(tag) =	ssettag $0x2  }
0xbe: {  	s0 =	rddreg [dreg:$0x0];
	s2 =	stileid.u32  }
0xbf: {  	s1 =	rddreg [dreg:$0x1];
	p0 =	sne.s32 s2, $0x0  }
0xc0: {  	s3 =	rddreg [dreg:$0x2];
	[bflag:$0x3] =	sbarrier.arrive $0xFFFF;
	s2 =	simm.s32 @!p0 $0x1C05  }
0xc1: {  	[timem:s3], [sflag:s2] =	dma.local @!p0 [hbm:s0], s1  }
0xc2: {  	s0 =	simm.s32 @!p0 $0x5  }
0xc3: {  	_ =	swait.ge @!p0 [sflag:s0], s1  }
0xc4: {  	s1 =	ssub.s32 @!p0 $0x0, s1;
	[sflag:s0] =	ssyncset.done @!p0 $0x0  }
0xc5: {  	[sflag:s0] =	ssyncadd.s32 @!p0 s1  }
0xc6: {  	[bflag:$0x3] =	sbarrier.arrive $0xFFFF  }
0xc7: {  	_ =	shalt  }

</sc_bundles>
